<compile_context>
chip_gen: v7x
topology: tpu7x:2x2x1
jax: 0.10.2.dev20260603
libtpu: 0.0.44.dev20260713+nightly
codegen_flags: <defaults>
</compile_context>

<pallas_src>
import functools

import jax
import jax.numpy as jnp
import numpy as np
from jax import lax
from jax.experimental import pallas as pl
from jax.experimental.pallas import tpu as pltpu
from jax.experimental.pallas import tpu_sc as plsc

VOCAB = 1000000
D = 64
HID = 128
NCLS = 2
B = 4096
L = 200

NW = 32
SPW = B // NW
WINDOW = 16

_mesh = plsc.VectorSubcoreMesh(core_axis_name="c", subcore_axis_name="s")


@functools.partial(
    pl.kernel,
    out_type=jax.ShapeDtypeStruct((B, D), jnp.float32),
    mesh=_mesh,
    scratch_types=[
        pltpu.VMEM((L, SPW), jnp.int32),
        pltpu.VMEM((SPW, D), jnp.float32),
        pltpu.SemaphoreType.DMA,
    ],
    compiler_params=pltpu.CompilerParams(use_tc_tiling_on_sc=False,
                                         needs_layout_passes=False),
)
def _sc_pool(xt_hbm, emb_hbm, out_hbm, idx_v, acc_v, sem):
    wid = lax.axis_index("s") * 2 + lax.axis_index("c")
    col = wid * SPW
    pltpu.sync_copy(xt_hbm.at[:, pl.ds(col, SPW)], idx_v)

    pltpu.sync_copy(emb_hbm.at[idx_v.at[0]], acc_v)

    @pl.loop(0, L - 1)
    def _fire(i):
        pltpu.async_copy(emb_hbm.at[idx_v.at[i + 1]], acc_v, sem, add=True)

        @pl.when(i >= WINDOW - 1)
        def _():
            pltpu.make_async_copy(emb_hbm.at[idx_v.at[0]], acc_v, sem).wait()

    @pl.loop(0, WINDOW - 1)
    def _drain(_):
        pltpu.make_async_copy(emb_hbm.at[idx_v.at[0]], acc_v, sem).wait()

    pltpu.sync_copy(acc_v, out_hbm.at[pl.ds(wid * SPW, SPW)])


def _mlp_body(s_ref, w1_ref, b1_ref, w2_ref, b2_ref, o_ref):
    x = s_ref[...] * np.float32(1.0 / L)
    h = lax.dot_general(x, w1_ref[...], (((1,), (1,)), ((), ())),
                        preferred_element_type=jnp.float32)
    h = jnp.maximum(h + b1_ref[...], 0.0)
    o_ref[...] = lax.dot_general(h, w2_ref[...], (((1,), (1,)), ((), ())),
                                 preferred_element_type=jnp.float32) + b2_ref[...]


def _mlp(sums, W1, b1, W2, b2):
    return pl.pallas_call(
        _mlp_body,
        out_shape=jax.ShapeDtypeStruct((B, NCLS), jnp.float32),
    )(sums, W1, b1.reshape(1, HID), W2, b2.reshape(1, NCLS))


def kernel(x_in, emb, W1, b1, W2, b2):
    x_t = jnp.transpose(x_in)
    sums = _sc_pool(x_t, emb)
    return _mlp(sums, W1, b1, W2, b2)

# --- scband reference (transcript-rebuilt; emitter-appended) ---
"""Pipeline reference for scband-review-mlp-embed-classifier-1477468749869 (READ-ONLY COPY).

The authoritative reference and input builder live on the scoring server;
editing this copy changes nothing except your own understanding.
"""

import jax, jax.numpy as jnp
import numpy as np

VOCAB = 1000000
EMBED_DIM = 64
HIDDEN = 128
NUM_CLASSES = 2
BATCH = 4096
HIST = 200


def setup_inputs(seed: int = 0) -> dict:
    key = jax.random.key(seed)
    k1, k2, k3, k4, k5, k6 = jax.random.split(key, 6)
    x_in = jax.random.randint(k1, (BATCH, HIST), 0, VOCAB, dtype=jnp.int64 if jax.config.jax_enable_x64 else jnp.int32).astype(jnp.int32)
    emb = jax.random.normal(k2, (VOCAB, EMBED_DIM), dtype=jnp.float32) * 0.02
    W1 = jax.random.normal(k3, (HIDDEN, EMBED_DIM), dtype=jnp.float32) * (1.0 / np.sqrt(EMBED_DIM))
    b1 = jax.random.normal(k4, (HIDDEN,), dtype=jnp.float32) * 0.01
    W2 = jax.random.normal(k5, (NUM_CLASSES, HIDDEN), dtype=jnp.float32) * (1.0 / np.sqrt(HIDDEN))
    b2 = jax.random.normal(k6, (NUM_CLASSES,), dtype=jnp.float32) * 0.01
    return {"x_in": x_in, "emb": emb, "W1": W1, "b1": b1, "W2": W2, "b2": b2}


def reference(x_in, emb, W1, b1, W2, b2):
    # embedding lookup: [B, L] -> [B, L, D]
    embed_out = jnp.take(emb, x_in, axis=0)
    # permute(0, 2, 1): [B, D, L]
    embed_out = jnp.transpose(embed_out, (0, 2, 1))
    # mean over dim 2 (sequence): [B, D]
    embed_out = jnp.mean(embed_out, axis=2)
    # Linear(D -> HIDDEN) + ReLU
    h = jnp.maximum(embed_out @ W1.T + b1, 0.0)
    # Linear(HIDDEN -> NUM_CLASSES)
    logits = h @ W2.T + b2
    # squeeze (no-op for [4096, 2])
    return jnp.squeeze(logits)

if __name__ == "__main__":
    import jax
    _d = setup_inputs()
    print(jax.jit(kernel)(*tuple(_d.values())))

</pallas_src>

<mosaic_0001>
#map = affine_map<(d0, d1) -> (0, 0)>
module attributes {stable_mosaic.version = 14 : i64} {
  func.func @_sc_pool(%arg0: i32, %arg1: i32, %arg2: memref<200x4096xi32, #tpu.memory_space<hbm>>, %arg3: memref<1000000x64xf32, #tpu.memory_space<hbm>>, %arg4: memref<4096x64xf32, #tpu.memory_space<hbm>>, %arg5: memref<200x128xi32, #tpu.memory_space<vmem>>, %arg6: memref<128x64xf32, #tpu.memory_space<vmem>>, %arg7: memref<!tpu.dma_semaphore, #tpu.memory_space<semaphore_mem>>) attributes {dimension_semantics = [#tpu.dimension_semantics<core_parallel>, #tpu.dimension_semantics<subcore_parallel>], iteration_bounds = array<i64: 2, 16>, scalar_prefetch = 0 : i64, scratch_operands = 3 : i64, tpu.core_type = #tpu.core_type<sc_vector_subcore>, window_params = [{transform_indices = #map}, {transform_indices = #map}, {transform_indices = #map}]} {
    %mul3A = arith.constant 2 : i32
    %mul3A_0 = arith.muli %arg1, %mul3A : i32
    %add3A = arith.addi %mul3A_0, %arg0 : i32
    %mul3A_1 = arith.constant 128 : i32
    %mul3A_2 = arith.muli %add3A, %mul3A_1 : i32
    "tpu.region"() ({
      %run_scoped3A_14 = tpu.sem_alloc : memref<!tpu.dma_semaphore, #tpu.memory_space<semaphore_mem>>
      %dma_start3A = arith.constant 0 : i32
      %dma_start3A_15 = tpu.memref_slice %arg2[%dma_start3A, %mul3A_2] : memref<200x4096xi32, #tpu.memory_space<hbm>> -> memref<200x128xi32, #tpu.memory_space<hbm>>
      %dma_start3A_16 = arith.constant 0 : i32
      %dma_start3A_17 = tpu.memref_slice %arg2[%dma_start3A_16, %mul3A_2] : memref<200x4096xi32, #tpu.memory_space<hbm>> -> memref<200x128xi32, #tpu.memory_space<hbm>>
      tpu.enqueue_dma source(%dma_start3A_17 : memref<200x128xi32, #tpu.memory_space<hbm>>) target(%arg5 : memref<200x128xi32, #tpu.memory_space<vmem>>) target_semaphore(%run_scoped3A_14 : memref<!tpu.dma_semaphore, #tpu.memory_space<semaphore_mem>>)
      %dma_wait3A = arith.constant 0 : i32
      %dma_wait3A_18 = tpu.memref_slice %arg2[%dma_wait3A, %mul3A_2] : memref<200x4096xi32, #tpu.memory_space<hbm>> -> memref<200x128xi32, #tpu.memory_space<hbm>>
      %dma_wait3A_19 = arith.constant 0 : i32
      %dma_wait3A_20 = tpu.memref_slice %arg2[%dma_wait3A_19, %mul3A_2] : memref<200x4096xi32, #tpu.memory_space<hbm>> -> memref<200x128xi32, #tpu.memory_space<hbm>>
      tpu.wait_dma2 semaphore(%run_scoped3A_14 : memref<!tpu.dma_semaphore, #tpu.memory_space<semaphore_mem>>) src(%dma_wait3A_20 : memref<200x128xi32, #tpu.memory_space<hbm>>) dst(%arg5 : memref<200x128xi32, #tpu.memory_space<vmem>>)
      tpu.yield
    }) : () -> ()
    %run_scoped3A = arith.constant 0 : i32
    "tpu.region"() ({
      %run_scoped3A_14 = tpu.sem_alloc : memref<!tpu.dma_semaphore, #tpu.memory_space<semaphore_mem>>
      %dma_start3A = arith.constant 0 : i32
      %dma_start3A_15 = tpu.memref_slice %arg5[%run_scoped3A, %dma_start3A] : memref<200x128xi32, #tpu.memory_space<vmem>> -> memref<1x128xi32, #tpu.memory_space<vmem>>
      %dma_start3A_16 = tpu.memref_squeeze %dma_start3A_15 : memref<1x128xi32, #tpu.memory_space<vmem>> -> memref<128xi32, #tpu.memory_space<vmem>>
      %dma_start3A_17 = arith.constant 0 : i32
      %dma_start3A_18 = arith.constant 0 : i32
      %dma_start3A_19 = tpu.memref_slice %arg3[%dma_start3A_17, %dma_start3A_18] : memref<1000000x64xf32, #tpu.memory_space<hbm>> -> memref<1000000x64xf32, #tpu.memory_space<hbm>>
      tpu.enqueue_indirect_dma source(%dma_start3A_19 : memref<1000000x64xf32, #tpu.memory_space<hbm>>) target(%arg6 : memref<128x64xf32, #tpu.memory_space<vmem>>) offsets(%dma_start3A_16 : memref<128xi32, #tpu.memory_space<vmem>>) semaphore(%run_scoped3A_14 : memref<!tpu.dma_semaphore, #tpu.memory_space<semaphore_mem>>)
      %dma_wait3A = arith.constant 0 : i32
      %dma_wait3A_20 = tpu.memref_slice %arg5[%run_scoped3A, %dma_wait3A] : memref<200x128xi32, #tpu.memory_space<vmem>> -> memref<1x128xi32, #tpu.memory_space<vmem>>
      %dma_wait3A_21 = tpu.memref_squeeze %dma_wait3A_20 : memref<1x128xi32, #tpu.memory_space<vmem>> -> memref<128xi32, #tpu.memory_space<vmem>>
      %dma_wait3A_22 = arith.constant 0 : i32
      %dma_wait3A_23 = arith.constant 0 : i32
      %dma_wait3A_24 = tpu.memref_slice %arg3[%dma_wait3A_22, %dma_wait3A_23] : memref<1000000x64xf32, #tpu.memory_space<hbm>> -> memref<1000000x64xf32, #tpu.memory_space<hbm>>
      tpu.wait_indirect_dma semaphore(%run_scoped3A_14 : memref<!tpu.dma_semaphore, #tpu.memory_space<semaphore_mem>>) src(%dma_wait3A_24 : memref<1000000x64xf32, #tpu.memory_space<hbm>>) dst(%arg6 : memref<128x64xf32, #tpu.memory_space<vmem>>)
      tpu.yield
    }) : () -> ()
    %scan3A = arith.constant 0 : i32
    %scan3A_3 = arith.constant 199 : i32
    %scan3A_4 = arith.addi %scan3A, %scan3A_3 : i32
    %scan3A_5 = arith.constant 1 : i32
    scf.for %scan3A_14 = %scan3A to %scan3A_4 step %scan3A_5  : i32 {
      %mul3A_15 = arith.constant 1 : i32
      %mul3A_16 = arith.muli %scan3A_14, %mul3A_15 : i32
      %add3A_17 = arith.constant 0 : i32
      %add3A_18 = arith.addi %add3A_17, %mul3A_16 : i32
      %add3A_19 = arith.constant 1 : i32
      %add3A_20 = arith.addi %add3A_18, %add3A_19 : i32
      %dma_start3A = arith.constant 0 : i32
      %dma_start3A_21 = tpu.memref_slice %arg5[%add3A_20, %dma_start3A] : memref<200x128xi32, #tpu.memory_space<vmem>> -> memref<1x128xi32, #tpu.memory_space<vmem>>
      %dma_start3A_22 = tpu.memref_squeeze %dma_start3A_21 : memref<1x128xi32, #tpu.memory_space<vmem>> -> memref<128xi32, #tpu.memory_space<vmem>>
      %dma_start3A_23 = arith.constant 0 : i32
      %dma_start3A_24 = arith.constant 0 : i32
      %dma_start3A_25 = tpu.memref_slice %arg3[%dma_start3A_23, %dma_start3A_24] : memref<1000000x64xf32, #tpu.memory_space<hbm>> -> memref<1000000x64xf32, #tpu.memory_space<hbm>>
      tpu.enqueue_indirect_dma source(%dma_start3A_25 : memref<1000000x64xf32, #tpu.memory_space<hbm>>) target(%arg6 : memref<128x64xf32, #tpu.memory_space<vmem>>) offsets(%dma_start3A_22 : memref<128xi32, #tpu.memory_space<vmem>>) semaphore(%arg7 : memref<!tpu.dma_semaphore, #tpu.memory_space<semaphore_mem>>) {add = true}
      %ge3A = arith.constant 15 : i32
      %ge3A_26 = arith.cmpi sge, %add3A_18, %ge3A : i32
      %convert_element_type3A = arith.extui %ge3A_26 : i1 to i32
      %cond3A = arith.constant 0 : i32
      %cond3A_27 = arith.cmpi ne, %convert_element_type3A, %cond3A : i32
      scf.if %cond3A_27 {
        %dma_wait3A = arith.constant 0 : i32
        %dma_wait3A_28 = arith.constant 0 : i32
        %dma_wait3A_29 = tpu.memref_slice %arg5[%dma_wait3A, %dma_wait3A_28] : memref<200x128xi32, #tpu.memory_space<vmem>> -> memref<1x128xi32, #tpu.memory_space<vmem>>
        %dma_wait3A_30 = tpu.memref_squeeze %dma_wait3A_29 : memref<1x128xi32, #tpu.memory_space<vmem>> -> memref<128xi32, #tpu.memory_space<vmem>>
        %dma_wait3A_31 = arith.constant 0 : i32
        %dma_wait3A_32 = arith.constant 0 : i32
        %dma_wait3A_33 = tpu.memref_slice %arg3[%dma_wait3A_31, %dma_wait3A_32] : memref<1000000x64xf32, #tpu.memory_space<hbm>> -> memref<1000000x64xf32, #tpu.memory_space<hbm>>
        tpu.wait_indirect_dma semaphore(%arg7 : memref<!tpu.dma_semaphore, #tpu.memory_space<semaphore_mem>>) src(%dma_wait3A_33 : memref<1000000x64xf32, #tpu.memory_space<hbm>>) dst(%arg6 : memref<128x64xf32, #tpu.memory_space<vmem>>)
      } else {
      }
    }
    %scan3A_6 = arith.constant 199 : i32
    %scan3A_7 = arith.constant 0 : i32
    %scan3A_8 = arith.constant 15 : i32
    %scan3A_9 = arith.addi %scan3A_7, %scan3A_8 : i32
    %scan3A_10 = arith.constant 1 : i32
    scf.for %scan3A_14 = %scan3A_7 to %scan3A_9 step %scan3A_10  : i32 {
      %mul3A_15 = arith.constant 1 : i32
      %mul3A_16 = arith.muli %scan3A_14, %mul3A_15 : i32
      %add3A_17 = arith.constant 0 : i32
      %add3A_18 = arith.addi %add3A_17, %mul3A_16 : i32
      %dma_wait3A = arith.constant 0 : i32
      %dma_wait3A_19 = arith.constant 0 : i32
      %dma_wait3A_20 = tpu.memref_slice %arg5[%dma_wait3A, %dma_wait3A_19] : memref<200x128xi32, #tpu.memory_space<vmem>> -> memref<1x128xi32, #tpu.memory_space<vmem>>
      %dma_wait3A_21 = tpu.memref_squeeze %dma_wait3A_20 : memref<1x128xi32, #tpu.memory_space<vmem>> -> memref<128xi32, #tpu.memory_space<vmem>>
      %dma_wait3A_22 = arith.constant 0 : i32
      %dma_wait3A_23 = arith.constant 0 : i32
      %dma_wait3A_24 = tpu.memref_slice %arg3[%dma_wait3A_22, %dma_wait3A_23] : memref<1000000x64xf32, #tpu.memory_space<hbm>> -> memref<1000000x64xf32, #tpu.memory_space<hbm>>
      tpu.wait_indirect_dma semaphore(%arg7 : memref<!tpu.dma_semaphore, #tpu.memory_space<semaphore_mem>>) src(%dma_wait3A_24 : memref<1000000x64xf32, #tpu.memory_space<hbm>>) dst(%arg6 : memref<128x64xf32, #tpu.memory_space<vmem>>)
    }
    %scan3A_11 = arith.constant 15 : i32
    %mul3A_12 = arith.constant 128 : i32
    %mul3A_13 = arith.muli %add3A, %mul3A_12 : i32
    "tpu.region"() ({
      %run_scoped3A_14 = tpu.sem_alloc : memref<!tpu.dma_semaphore, #tpu.memory_space<semaphore_mem>>
      %dma_start3A = arith.constant 0 : i32
      %dma_start3A_15 = tpu.memref_slice %arg4[%mul3A_13, %dma_start3A] : memref<4096x64xf32, #tpu.memory_space<hbm>> -> memref<128x64xf32, #tpu.memory_space<hbm>>
      %dma_start3A_16 = arith.constant 0 : i32
      %dma_start3A_17 = tpu.memref_slice %arg4[%mul3A_13, %dma_start3A_16] : memref<4096x64xf32, #tpu.memory_space<hbm>> -> memref<128x64xf32, #tpu.memory_space<hbm>>
      tpu.enqueue_dma source(%arg6 : memref<128x64xf32, #tpu.memory_space<vmem>>) target(%dma_start3A_17 : memref<128x64xf32, #tpu.memory_space<hbm>>) target_semaphore(%run_scoped3A_14 : memref<!tpu.dma_semaphore, #tpu.memory_space<semaphore_mem>>)
      %dma_wait3A = arith.constant 0 : i32
      %dma_wait3A_18 = tpu.memref_slice %arg4[%mul3A_13, %dma_wait3A] : memref<4096x64xf32, #tpu.memory_space<hbm>> -> memref<128x64xf32, #tpu.memory_space<hbm>>
      %dma_wait3A_19 = arith.constant 0 : i32
      %dma_wait3A_20 = tpu.memref_slice %arg4[%mul3A_13, %dma_wait3A_19] : memref<4096x64xf32, #tpu.memory_space<hbm>> -> memref<128x64xf32, #tpu.memory_space<hbm>>
      tpu.wait_dma2 semaphore(%run_scoped3A_14 : memref<!tpu.dma_semaphore, #tpu.memory_space<semaphore_mem>>) src(%arg6 : memref<128x64xf32, #tpu.memory_space<vmem>>) dst(%dma_wait3A_20 : memref<128x64xf32, #tpu.memory_space<hbm>>)
      tpu.yield
    }) : () -> ()
    return
  }
}

module attributes {stable_mosaic.version = 14 : i64} {
  func.func @_mlp_body(%arg0: memref<4096x64xf32, #tpu.memory_space<vmem>>, %arg1: memref<128x64xf32, #tpu.memory_space<vmem>>, %arg2: memref<1x128xf32, #tpu.memory_space<vmem>>, %arg3: memref<2x128xf32, #tpu.memory_space<vmem>>, %arg4: memref<1x2xf32, #tpu.memory_space<vmem>>, %arg5: memref<4096x2xf32, #tpu.memory_space<vmem>>) attributes {dimension_semantics = [], scalar_prefetch = 0 : i64, scratch_operands = 0 : i64, tpu.core_type = #tpu.core_type<tc>} {
    %get3A = arith.constant 0 : index
    %get3A_0 = arith.constant 0 : index
    %get3A_1 = vector.load %arg0[%get3A, %get3A_0] : memref<4096x64xf32, #tpu.memory_space<vmem>>, vector<4096x64xf32>
    %mul3A = arith.constant 5.000000e-03 : f32
    %mul3A_2 = vector.broadcast %mul3A : f32 to vector<4096x64xf32>
    %mul3A_3 = arith.mulf %get3A_1, %mul3A_2 : vector<4096x64xf32>
    %get3A_4 = arith.constant 0 : index
    %get3A_5 = arith.constant 0 : index
    %get3A_6 = vector.load %arg1[%get3A_4, %get3A_5] : memref<128x64xf32, #tpu.memory_space<vmem>>, vector<128x64xf32>
    %dot_general3A = arith.constant dense<0.000000e+00> : vector<4096x128xf32>
    %dot_general3A_7 = tpu.matmul %mul3A_3, %get3A_6, %dot_general3A {dimension_numbers = #tpu.dot_dimension_numbers<[1], [1], [0], [0], [0, 0, 1, 0], [], []>, transpose_lhs_hint = false} : vector<4096x64xf32>, vector<128x64xf32>, vector<4096x128xf32> -> vector<4096x128xf32>
    %get3A_8 = arith.constant 0 : index
    %get3A_9 = arith.constant 0 : index
    %get3A_10 = vector.load %arg2[%get3A_8, %get3A_9] : memref<1x128xf32, #tpu.memory_space<vmem>>, vector<1x128xf32>
    %add3A = vector.broadcast %get3A_10 : vector<1x128xf32> to vector<4096x128xf32>
    %add3A_11 = arith.addf %dot_general3A_7, %add3A : vector<4096x128xf32>
    %max3A = arith.constant 0.000000e+00 : f32
    %max3A_12 = vector.broadcast %max3A : f32 to vector<4096x128xf32>
    %max3A_13 = arith.maximumf %add3A_11, %max3A_12 : vector<4096x128xf32>
    %get3A_14 = arith.constant 0 : index
    %get3A_15 = arith.constant 0 : index
    %get3A_16 = vector.load %arg3[%get3A_14, %get3A_15] : memref<2x128xf32, #tpu.memory_space<vmem>>, vector<2x128xf32>
    %dot_general3A_17 = arith.constant dense<0.000000e+00> : vector<4096x2xf32>
    %dot_general3A_18 = tpu.matmul %max3A_13, %get3A_16, %dot_general3A_17 {dimension_numbers = #tpu.dot_dimension_numbers<[1], [1], [0], [0], [0, 0, 1, 0], [], []>, transpose_lhs_hint = false} : vector<4096x128xf32>, vector<2x128xf32>, vector<4096x2xf32> -> vector<4096x2xf32>
    %get3A_19 = arith.constant 0 : index
    %get3A_20 = arith.constant 0 : index
    %get3A_21 = vector.load %arg4[%get3A_19, %get3A_20] : memref<1x2xf32, #tpu.memory_space<vmem>>, vector<1x2xf32>
    %add3A_22 = vector.broadcast %get3A_21 : vector<1x2xf32> to vector<4096x2xf32>
    %add3A_23 = arith.addf %dot_general3A_18, %add3A_22 : vector<4096x2xf32>
    %swap3A = arith.constant 0 : index
    %swap3A_24 = arith.constant 0 : index
    %swap3A_25 = vector.load %arg5[%swap3A, %swap3A_24] : memref<4096x2xf32, #tpu.memory_space<vmem>>, vector<4096x2xf32>
    tpu.vector_store %arg5[%swap3A, %swap3A_24], %add3A_23 {strides = array<i32>} : memref<4096x2xf32, #tpu.memory_space<vmem>>, vector<4096x2xf32>,
    return
  }
}

</mosaic_0001>

<sc_bundles>
// kernel: kernel.4.cloned.1.call-start
scs
__scs_entry_jumppad:
0x0: {  	(pc) =	sbr.rel $0x88, $3  }
0x1: {  	(tag) =	ssettag $0x0;
	lr =	simm.s32 $0x1  }
0x2: {  	[smem:$0x3F9B] =	sst lr;
	_ =	strace $0xD0000000  }
0x3: {  	_ = 	snop  }
0x4: {  	_ = 	snop  }
0x5: {  	_ = 	snop  }
0x6: {  	_ = 	snop  }
0x7: {  	_ = 	snop  }
__scs_overlays_trampoline_lowered:
0x8: {  	[smem:$0x3FAA] =	sst s0  }
0x9: {  	[smem:$0x3FAB] =	sst s1  }
0xa: {  	[smem:$0x3FAC] =	sst s2  }
0xb: {  	[smem:$0x3FAD] =	sst s3  }
0xc: {  	[smem:$0x3FAE] =	sst s4  }
0xd: {  	[smem:$0x3FAF] =	sst s5  }
0xe: {  	[smem:$0x3FB0] =	sst s6  }
0xf: {  	[smem:$0x3FB1] =	sst s7  }
0x10: {  	[smem:$0x3FB2] =	sst s8  }
0x11: {  	[smem:$0x3FB3] =	sst s9;
	s0 =	simm.s32 @!p0 $0x0  }
0x12: {  	s1 =	sld [smem:$0x3F99];
	s0 =	simm.s32 @p0 $0x1  }
0x13: {  	[smem:$0x3FB4] =	sst s0;
	s0 =	simm.s32 @!p1 $0x0  }
0x14: {  	s2 =	sld [smem:$0x3F98];
	s0 =	simm.s32 @p1 $0x1  }
0x15: {  	[smem:$0x3FB5] =	sst s0;
	s0 =	simm.s32 @!p2 $0x0  }
0x16: {  	s3 =	sld [smem:$0x3FDB];
	s0 =	simm.s32 @p2 $0x1  }
0x17: {  	s4 =	simm.s32 $0x1BF5;
	[smem:$0x3FB7] =	sst s0  }
0x18: {  	s0 =	sld [smem:$0x3F9A];
	_ =	swait.ge [sflag:s4], $0x0  }
0x19: {  	s7 =	sld [smem:$0x3F9B]  }
0x1a: {  	s8 =	sadd.s32 $0xFFFFE003, lr  }
0x1b: {  	s9 =	sadd.s32 $0xFFFFFEF7, lr;
	s5 =	simm.s32 $0xFFFFFFFF;
	p2 =	slt.u32 s8, $0xFFFFF086  }
0x1c: {  	p1 =	slt.u32 s9, $0xF7A;
	s5 =	simm.s32 @!p2 $0x0  }
0x1d: {  	s5 =	simm.s32 @p1 $0x1;
	p0 =	seq.s32 s7, s2  }
0x1e: {  	s7 =	smul.u32 @!p0 $0xF7A, s2;
	p2 =	seq.s32 @!p0 s5, $0x0  }
0x1f: {  	s9 =	smul.u32 $0xF7A, s1;
	s8 =	simm.s32 @!p0 $0x1BF5;
	p2 =	por !p2, p0  }
0x20: {  	[sflag:s8] =	ssyncset.s32 @!p0 $0xFFFFF086;
	s6 =	sadd.s32 @!p0 s3, s7;
	s7 =	simm.s32 @!p0 $0x108  }
0x21: {  	s3 =	sadd.s32 s3, s9;
	s6 =	sadd.s32 @!p0 $0x88, s6;
	s7 =	simm.s32 @p2 $0x1082  }
0x22: {  	[simem:s7], [sflag:s8] =	dma.local @!p0 [hbm:s6], $0xF7A  }
0x23: {  	s9 =	sor.u32 $0xD0000000, s2;
	s6 =	simm.s32 $0x108;
	_ =	swait.ge @!p0 [sflag:s8], $0x0  }
0x24: {  	s3 =	sadd.s32 $0x88, s3;
	s6 =	simm.s32 @!p1 $0x1082;
	[sflag:s4] =	ssyncset.s32 $0xFFFFF086  }
0x25: {  	[simem:s6], [sflag:s4] =	dma.local [hbm:s3], $0xF7A  }
0x26: {  	[smem:$0x3F9B] =	sst s1;
	(tag) =	ssettag s2;
	_ =	strace s9  }
0x27: {  	s1 =	sld [smem:$0x3FAB]  }
0x28: {  	s2 =	sld [smem:$0x3FAC]  }
0x29: {  	s4 =	sld [smem:$0x3FAE]  }
0x2a: {  	p0 =	seq.s32 s5, $0x0;
	s5 =	sld [smem:$0x3FAF]  }
0x2b: {  	s6 =	sld [smem:$0x3FB0]  }
0x2c: {  	s7 =	sld [smem:$0x3FB1]  }
0x2d: {  	s3 =	simm.s32 $0x108;
	s8 =	sld [smem:$0x3FB2]  }
0x2e: {  	s3 =	simm.s32 @!p0 $0x1082;
	s9 =	sld [smem:$0x3FB3]  }
0x2f: {  	lr =	sadd.s32 s0, s3;
	s0 =	sld [smem:$0x3FAA]  }
0x30: {  	s3 =	sld [smem:$0x3FAD]  }
0x31: {  	[smem:$0x3FB6] =	sst s10  }
0x32: {  	s10 =	sld [smem:$0x3FB4];
	_ =	sdelay $0x3  }
0x33: {  	p0 =	seq.s32 s10, $0x1;
	s10 =	sld [smem:$0x3FB6];
	_ =	sdelay $0x3  }
0x34: {  	[smem:$0x3FB6] =	sst s10  }
0x35: {  	s10 =	sld [smem:$0x3FB5];
	_ =	sdelay $0x3  }
0x36: {  	p1 =	seq.s32 s10, $0x1;
	s10 =	sld [smem:$0x3FB6];
	_ =	sdelay $0x3  }
0x37: {  	[smem:$0x3FB6] =	sst s10  }
0x38: {  	s10 =	sld [smem:$0x3FB7]  }
0x39: {  	_ = 	snop;
	(pc) =	sbr.ind lr, $3  }
0x3a: {  	_ = 	snop  }
0x3b: {  	_ = 	snop  }
0x3c: {  	p2 =	seq.s32 s10, $0x1;
	s10 =	sld [smem:$0x3FB6]  }
0x3d: {  	_ =	shalt  }
0x3e: {  	_ =	shalt  }
0x3f: {  	_ =	shalt  }
0x40: {  	_ =	shalt  }
0x41: {  	_ =	shalt  }
0x42: {  	_ =	shalt  }
0x43: {  	_ =	shalt  }
0x44: {  	_ =	shalt  }
0x45: {  	_ =	shalt  }
0x46: {  	_ =	shalt  }
0x47: {  	_ =	shalt  }
0x48: {  	_ =	shalt  }
0x49: {  	_ =	shalt  }
0x4a: {  	_ =	shalt  }
0x4b: {  	_ =	shalt  }
0x4c: {  	_ =	shalt  }
0x4d: {  	_ =	shalt  }
0x4e: {  	_ =	shalt  }
0x4f: {  	_ =	shalt  }
0x50: {  	_ =	shalt  }
0x51: {  	_ =	shalt  }
0x52: {  	_ =	shalt  }
0x53: {  	_ =	shalt  }
0x54: {  	_ =	shalt  }
0x55: {  	_ =	shalt  }
0x56: {  	_ =	shalt  }
0x57: {  	_ =	shalt  }
0x58: {  	_ =	shalt  }
0x59: {  	_ =	shalt  }
0x5a: {  	_ =	shalt  }
0x5b: {  	_ =	shalt  }
0x5c: {  	_ =	shalt  }
0x5d: {  	_ =	shalt  }
0x5e: {  	_ =	shalt  }
0x5f: {  	_ =	shalt  }
0x60: {  	_ =	shalt  }
0x61: {  	_ =	shalt  }
0x62: {  	_ =	shalt  }
0x63: {  	_ =	shalt  }
0x64: {  	_ =	shalt  }
0x65: {  	_ =	shalt  }
0x66: {  	_ =	shalt  }
0x67: {  	_ =	shalt  }
0x68: {  	_ =	shalt  }
0x69: {  	_ =	shalt  }
0x6a: {  	_ =	shalt  }
0x6b: {  	_ =	shalt  }
0x6c: {  	_ =	shalt  }
0x6d: {  	_ =	shalt  }
0x6e: {  	_ =	shalt  }
0x6f: {  	_ =	shalt  }
0x70: {  	_ =	shalt  }
0x71: {  	_ =	shalt  }
0x72: {  	_ =	shalt  }
0x73: {  	_ =	shalt  }
0x74: {  	_ =	shalt  }
0x75: {  	_ =	shalt  }
0x76: {  	_ =	shalt  }
0x77: {  	_ =	shalt  }
0x78: {  	_ =	shalt  }
0x79: {  	_ =	shalt  }
0x7a: {  	_ =	shalt  }
0x7b: {  	_ =	shalt  }
0x7c: {  	_ =	shalt  }
0x7d: {  	_ =	shalt  }
0x7e: {  	_ =	shalt  }
0x7f: {  	_ =	shalt  }
0x80: {  	_ =	shalt  }
0x81: {  	_ =	shalt  }
0x82: {  	_ =	shalt  }
0x83: {  	_ =	shalt  }
0x84: {  	_ =	shalt  }
0x85: {  	_ =	shalt  }
0x86: {  	_ =	shalt  }
0x87: {  	_ =	shalt  }
.Lfunc_end0:
.L_simem_size_0:
called_computation_lowered:
.L_overlay_start_0:
0x88: {  	s2 =	sld [smem:$0x3FD9]  }
0x89: {  	s3 =	sld [smem:$0x3FFE];
	_ =	sdelay $0x1  }
0x8a: {  	s1 =	srdreg.scid  }
0x8b: {  	s0 =	sand.u32 $0x1, s1  }
0x8c: {  	s16 =	sshll.u32 s0, $0xA;
	s2 =	sadd.s32 s3, s2  }
0x8d: {  	s2 =	sadd.s32 s2, s16  }
0x8e: {  	[smem:$0x3FC2] =	sst s2  }
0x8f: {  	_ = 	snop  }
0x90: {  	(tm) =	ssettm $0x1  }
0x91: {  	s17 =	sld [smem:$0x3FFB];
	_ =	sdelay $0x3  }
0x92: {  	_ =	strace s17  }
0x93: {  	s2 =	sld [smem:$0x3FFC];
	_ =	sdelay $0x3  }
0x94: {  	_ =	strace s2  }
0x95: {  	s2 =	sld [smem:$0x3FFD];
	_ =	sdelay $0x3  }
0x96: {  	_ =	strace s2  }
0x97: {  	_ =	strace $0x8FFFFFFF  }
0x98: {  	s18 =	sld [smem:$0x3FDB];
	_ =	sdelay $0x1  }
0x99: {  	s19 =	simm.s32 $_scs_section_size  }
0x9a: {  	s4 =	simm.s32 $_size__tile_overlayer_lowered;
	s5 =	simm.s32 $_tile_overlayer_lowered  }
0x9b: {  	s22 =	simm.s32 $0x1BFF;
	s21 =	sshll.u32 s5, $0x1;
	s2 =	sadd.s32 s19, s18  }
0x9c: {  	s6 =	simm.s32 $0x0;
	s20 =	sshll.u32 s4, $0x1;
	s4 =	sadd.s32 s21, s2  }
0x9d: {  	[timem:s6], [sflag:s22] =	dma.local [hbm:s4], s20  }
0x9e: {  	_ =	swait.ge [sflag:s22], s20  }
0x9f: {  	s3 =	ssub.s32 $0x0, s20;
	[sflag:s22] =	ssyncset.done $0x0  }
0xa0: {  	[sflag:s22] =	ssyncadd.s32 s3;
	_ =	sdelay $0x1  }
0xa1: {  	s23 =	simm.s32 $0x1B8B  }
0xa2: {  	_ =	swait.ge [sflag:s23], $0x1  }
0xa3: {  	[sflag:s23] =	ssyncset.done $0x0  }
0xa4: {  	s25 =	simm.s32 $0x1B8E;
	s24 =	sld [smem:$0x3FFE];
	[sflag:s23] =	ssyncadd.s32 $0xFFFFFFFF  }
0xa5: {  	s26 =	simm.s32 $execute0_lowered;
	[smem:$0x3FD2] =	sst s25  }
0xa6: {  	s4 =	sshll.u32 s26, $0x1;
	_ =	strace $0x80000046;
	[dreg:$0x1] =	wrdreg $0xFFFFFFFF  }
0xa7: {  	s28 =	simm.s32 $_size_execute0_lowered;
	s2 =	sadd.s32 s2, s4;
	[dreg:$0x0] =	wrdreg $0x0  }
0xa8: {  	s4 =	sshll.u32 s28, $0x1;
	[dreg:$0x2] =	wrdreg s2  }
0xa9: {  	[dreg:$0x3] =	wrdreg s4  }
0xaa: {  	[dreg:$0x4] =	wrdreg $0xC0  }
0xab: {  	_ =	task [dreg:s6], $0x5FFFF  }
0xac: {  	[dreg:$0x1] =	wrdreg $0xFFFFFFFF  }
0xad: {  	[dreg:$0x0] =	wrdreg $0x60  }
0xae: {  	[dreg:$0x2] =	wrdreg s24  }
0xaf: {  	[dreg:$0x3] =	wrdreg $0x9  }
0xb0: {  	_ =	task.clear_ibuf [dreg:s6], $0x4FFFF;
	_ =	strace $0x90000046  }
0xb1: {  	s29 =	simm.s32 $0x9;
	_ =	strace $0x80000048  }
0xb2: {  	_ =	swait.ge [sflag:s29], $0x1  }
0xb3: {  	[sflag:s29] =	ssyncadd.s32 $0xFFFFFFFF  }
0xb4: {  	_ =	strace $0x90000048  }
0xb5: {  	_ =	sfence  }
0xb6: {  	s30 =	sld [smem:$0x0];
	_ =	sdelay $0x2  }
0xb7: {  	s31 =	sshll.u32 s1, $0xD;
	s1 =	sshrl.u32 s1, $0x2  }
0xb8: {  	s3 =	sand.u32 $0x4000, s31;
	s1 =	sadd.s32 s1, s30  }
0xb9: {  	s0 =	sor.u32 s3, s0;
	s1 =	sshll.u32 s1, $0x11  }
0xba: {  	s0 =	sor.u32 s1, s0  }
0xbb: {  	s0 =	sadd.s32 $0x8F2B, s0  }
0xbc: {  	[sflag:s0] =	ssyncadd.remote.s32 $0x1  }
0xbd: {  	_ =	sfence.sel $0xFFFF  }
0xbe: {  	[dreg:$0x0] =	wrdreg $0xFFFFFFFF;
	(pc) =	sbr.abs _section_cstart, $3  }
0xbf: {  	[dreg:$0x1] =	wrdreg $0xFFFFFFFF  }
0xc0: {  	_ =	task.clear_ibuf [dreg:s6], $0x2FFFF;
	_ =	strace $0x9FFFFFFF  }
0xc1: {  	(tm) =	ssettm $0x7FFFFFFF  }
tec
execute0_lowered:
.L_overlay_start_1:
0x0: {  	(tag) =	ssettag $0x1  }
0x1: {  	s4 =	rddreg [dreg:$0x0];
	s2 =	srdreg.scid  }
0x2: {  	s0 =	rddreg [dreg:$0x1];
	s1 =	stileid.u32  }
0x3: {  	s9 =	simm.s32 $0x6400;
	s10 =	simm.s32 $0x80;
	s11 =	simm.s32 $0x1  }
0x4: {  	s12 =	simm.s32 $0x0;
	s3 =	sand.u32 $0x1, s2;
	s2 =	simm.s32 $0x0  }
0x5: {  	s5 =	sshll.u32 s1, $0x8;
	s6 =	sshll.u32 s3, $0x7;
	[smem:$0x7FF] =	sst s2  }
0x6: {  	s7 =	ssub.s32 $0x2, s3;
	s3 =	sadd.s32 $0xF43200, s4;
	s5 =	sor.u32 s6, s5  }
0x7: {  	_ =	strace $0x80000047;
	s8 =	sshrl.u32 s7, $0x1;
	s6 =	sshrl.u32 s5, $0x3  }
0x8: {  	s5 =	sshll.u32 s5, $0x3;
	s7 =	ssub.s32 s7, s8;
	s6 =	sadd.s32 s6, s4  }
0x9: {  	s8 =	simm.s32 $0x2;
	s5 =	sadd.s32 s5, s4;
	s4 =	sadd.s32 $0xE00, s6  }
0xa: {  	s5 =	sadd.s32 $0x19E00, s5;
	s6 =	smax.u32 s7, $0x1;
	s7 =	simm.s32 $0x1000  }
.LBB2_1:
0xb: {  	[tilespmem:s2], [sflag:$0x2] =	stream.strided.gather [hbm4b:s4+s10], $0x6400, s7, s10, $0x38;
	[tilespmem:$0x8400] =	vst v63  }
0xc: {  	_ =	swait.ge [sflag:s8], $0x6400  }
0xd: {  	[sflag:s8] =	ssyncset.done $0x0  }
0xe: {  	[sflag:s8] =	ssyncadd.s32 $0xFFFF9C00  }
0xf: {  	[tilespmem:s9], [sflag:$0x2] =	stream.indirect.gather [hbm4b:s3+s10], $0x40, s2, s10, $0xb8;
	[tilespmem:$0x8400] =	vst v63  }
0x10: {  	_ =	swait.ge [sflag:s8], $0x2000  }
0x11: {  	p0 =	por $0x1, $0x1;
	[sflag:s8] =	ssyncset.done $0x0  }
0x12: {  	s15 =	simm.s32 @!p0 $0x1;
	[sflag:s8] =	ssyncadd.s32 $0xFFFFE000  }
0x13: {  	[tilespmem:s9], [sflag:$0x1] =	stream.indirect.gather.add.f32 [hbm:s3], $0x40, s10, s10, $0xb8;
	[tilespmem:$0x8400] =	vst v63  }
0x14: {  	_ =	swait.ge @!p0 [sflag:s15], $0x2000  }
0x15: {  	s13 =	simm.s32 $0x1;
	s14 =	simm.s32 $0x80;
	[sflag:s15] =	ssyncset.done @!p0 $0x0  }
.LBB2_2:
0x16: {  	[sflag:s15] =	ssyncadd.s32 @!p0 $0xFFFFE000  }
0x17: {  	s14 =	sadd.s32 $0x80, s14;
	s15 =	smov.u32 s13;
	s13 =	sadd.s32 $0x1, s13  }
0x18: {  	p1 =	sne.s32 s13, $0xC7  }
0x19: {  	[tilespmem:s9], [sflag:$0x1] =	stream.indirect.gather.add.f32 [hbm:s3], $0x40, s14, s10, $0xb8;
	[tilespmem:$0x8400] =	vst v63  }
.Ltmp0:
0x1a: {  	_ = 	snop;
	(pc) =	sbr.rel @p1 .LBB2_2-.Ltmp0, $4  }
0x1b: {  	p0 =	slt.u32 s15, $0xF  }
0x1c: {  	s15 =	simm.s32 @!p0 $0x1  }
0x1d: {  	_ =	swait.ge @!p0 [sflag:s15], $0x2000  }
0x1e: {  	[sflag:s15] =	ssyncset.done @!p0 $0x0  }
0x1f: {  	[sflag:s15] =	ssyncadd.s32 @!p0 $0xFFFFE000  }
0x20: {  	_ =	swait.ge [sflag:s11], $0x2000  }
0x21: {  	[sflag:s11] =	ssyncset.done $0x0  }
0x22: {  	[sflag:s11] =	ssyncadd.s32 $0xFFFFE000  }
0x23: {  	_ =	swait.ge [sflag:s11], $0x2000  }
0x24: {  	[sflag:s11] =	ssyncset.done $0x0  }
0x25: {  	[sflag:s11] =	ssyncadd.s32 $0xFFFFE000  }
0x26: {  	_ =	swait.ge [sflag:s11], $0x2000  }
0x27: {  	[sflag:s11] =	ssyncset.done $0x0  }
0x28: {  	[sflag:s11] =	ssyncadd.s32 $0xFFFFE000  }
0x29: {  	_ =	swait.ge [sflag:s11], $0x2000  }
0x2a: {  	[sflag:s11] =	ssyncset.done $0x0  }
0x2b: {  	[sflag:s11] =	ssyncadd.s32 $0xFFFFE000  }
0x2c: {  	_ =	swait.ge [sflag:s11], $0x2000  }
0x2d: {  	[sflag:s11] =	ssyncset.done $0x0  }
0x2e: {  	[sflag:s11] =	ssyncadd.s32 $0xFFFFE000  }
0x2f: {  	_ =	swait.ge [sflag:s11], $0x2000  }
0x30: {  	[sflag:s11] =	ssyncset.done $0x0  }
0x31: {  	[sflag:s11] =	ssyncadd.s32 $0xFFFFE000  }
0x32: {  	_ =	swait.ge [sflag:s11], $0x2000  }
0x33: {  	[sflag:s11] =	ssyncset.done $0x0  }
0x34: {  	[sflag:s11] =	ssyncadd.s32 $0xFFFFE000  }
0x35: {  	_ =	swait.ge [sflag:s11], $0x2000  }
0x36: {  	[sflag:s11] =	ssyncset.done $0x0  }
0x37: {  	[sflag:s11] =	ssyncadd.s32 $0xFFFFE000  }
0x38: {  	_ =	swait.ge [sflag:s11], $0x2000  }
0x39: {  	[sflag:s11] =	ssyncset.done $0x0  }
0x3a: {  	[sflag:s11] =	ssyncadd.s32 $0xFFFFE000  }
0x3b: {  	_ =	swait.ge [sflag:s11], $0x2000  }
0x3c: {  	[sflag:s11] =	ssyncset.done $0x0  }
0x3d: {  	[sflag:s11] =	ssyncadd.s32 $0xFFFFE000  }
0x3e: {  	_ =	swait.ge [sflag:s11], $0x2000  }
0x3f: {  	[sflag:s11] =	ssyncset.done $0x0  }
0x40: {  	[sflag:s11] =	ssyncadd.s32 $0xFFFFE000  }
0x41: {  	_ =	swait.ge [sflag:s11], $0x2000  }
0x42: {  	[sflag:s11] =	ssyncset.done $0x0  }
0x43: {  	[sflag:s11] =	ssyncadd.s32 $0xFFFFE000  }
0x44: {  	_ =	swait.ge [sflag:s11], $0x2000  }
0x45: {  	[sflag:s11] =	ssyncset.done $0x0  }
0x46: {  	[sflag:s11] =	ssyncadd.s32 $0xFFFFE000  }
0x47: {  	_ =	swait.ge [sflag:s11], $0x2000  }
0x48: {  	[sflag:s11] =	ssyncset.done $0x0  }
0x49: {  	[sflag:s11] =	ssyncadd.s32 $0xFFFFE000  }
0x4a: {  	s12 =	sadd.s32 $0x1, s12;
	_ =	swait.ge [sflag:s11], $0x2000  }
0x4b: {  	p0 =	sne.s32 s12, s6;
	[sflag:s11] =	ssyncset.done $0x0  }
.Ltmp1:
0x4c: {  	[sflag:s11] =	ssyncadd.s32 $0xFFFFE000;
	(pc) =	sbr.rel @p0 .LBB2_1-.Ltmp1, $4  }
0x4d: {  	[hbm4b:s5+s2] =	stream.linear.scatter [tilespmem:s9], [sflag:$0x2], $0x2000, $0x38;
	[tilespmem:$0x8400] =	vst v63  }
0x4e: {  	_ =	swait.ge [sflag:s8], $0x2000  }
0x4f: {  	[sflag:s8] =	ssyncset.done $0x0  }
0x50: {  	[sflag:s8] =	ssyncadd.s32 $0xFFFFE000  }
0x51: {  	_ =	sfence.sel $0x180000  }
0x52: {  	[bflag:$0x0] =	sbarrier.arrive $0xFFFF  }
0x53: {  	p0 =	sne.s32 s1, $0x0;
	_ =	strace $0x90000047  }
0x54: {  	s0 =	sadd.s32 @!p0 $0x100000, s0;
	[bflag:$0x2] =	sbarrier.arrive $0xFFFF  }
0x55: {  	[sflag:s0] =	ssyncadd.tile.s32 @!p0 $0x1;
	_ =	shalt  }
.Lfunc_end2:
_tile_overlayer_lowered:
.L_overlay_start_2:
0x56: {  	(tag) =	ssettag $0x2  }
0x57: {  	s0 =	rddreg [dreg:$0x0];
	s2 =	stileid.u32  }
0x58: {  	s1 =	rddreg [dreg:$0x1];
	p0 =	sne.s32 s2, $0x0  }
0x59: {  	s3 =	rddreg [dreg:$0x2];
	[bflag:$0x3] =	sbarrier.arrive $0xFFFF;
	s2 =	simm.s32 @!p0 $0x1C02  }
0x5a: {  	[timem:s3], [sflag:s2] =	dma.local @!p0 [hbm:s0], s1  }
0x5b: {  	s0 =	simm.s32 @!p0 $0x2  }
0x5c: {  	_ =	swait.ge @!p0 [sflag:s0], s1  }
0x5d: {  	s1 =	ssub.s32 @!p0 $0x0, s1;
	[sflag:s0] =	ssyncset.done @!p0 $0x0  }
0x5e: {  	[sflag:s0] =	ssyncadd.s32 @!p0 s1  }
0x5f: {  	[bflag:$0x3] =	sbarrier.arrive $0xFFFF  }
0x60: {  	_ =	shalt  }

</sc_bundles>
